<compile_context>
chip_gen: v7x
topology: tpu7x:2x2x1
jax: 0.10.2.dev20260603
libtpu: 0.0.44.dev20260713+nightly
codegen_flags: <defaults>
</compile_context>

<pallas_src>
import functools

import jax
import jax.numpy as jnp
from jax import lax
from jax.experimental import pallas as pl
from jax.experimental.pallas import tpu as pltpu
from jax.experimental.pallas import tpu_sc as plsc

_H = 128
_I = 128
_E = 8
_E_LOCAL = 2
_BT = 8192


def _routing_combine_sc(rl_t, T):
    info = plsc.get_sparse_core_info()
    NC, NS, L = info.num_cores, info.num_subcores, info.num_lanes
    NW = NC * NS
    TW = T // NW
    mesh = plsc.VectorSubcoreMesh(core_axis_name="c", subcore_axis_name="s")

    @functools.partial(
        pl.kernel, mesh=mesh,
        out_type=jax.ShapeDtypeStruct((2, T), jnp.float32),
        scratch_types=[
            pltpu.VMEM((_E, TW), jnp.float32),
            pltpu.VMEM((2, TW), jnp.float32),
        ],
    )
    def k(rl_hbm, out_hbm, rl_v, out_v):
        wid = lax.axis_index("s") * NC + lax.axis_index("c")
        base = wid * TW
        pltpu.sync_copy(rl_hbm.at[:, pl.ds(base, TW)], rl_v)

        def body(i, carry):
            vs = [rl_v[e, pl.ds(i * L, L)] for e in range(_E)]
            m1 = vs[0]
            for e in range(1, _E):
                m1 = jnp.maximum(m1, vs[e])
            neg_inf = jnp.float32(-jnp.inf)
            cnt = jnp.zeros((L,), jnp.float32)
            m2 = jnp.full((L,), neg_inf, jnp.float32)
            for e in range(_E):
                is1 = vs[e] == m1
                cnt = cnt + jnp.where(is1, 1.0, 0.0)
                m2 = jnp.maximum(m2, jnp.where(is1, neg_inf, vs[e]))
            m2 = jnp.where(cnt >= 2.0, m1, m2)
            e2 = jnp.exp(m2 - m1)
            wa = 1.0 / (1.0 + e2)
            wb = e2 * wa
            f1_0 = jnp.where(vs[0] == m1, 1.0, 0.0)
            f1_1 = jnp.where(vs[1] == m1, 1.0, 0.0) * (1.0 - f1_0)
            f2_0 = jnp.where(vs[0] == m2, 1.0, 0.0) * (1.0 - f1_0)
            f2_1 = (jnp.where(vs[1] == m2, 1.0, 0.0) * (1.0 - f1_1)
                    * (1.0 - f2_0))
            c0 = f1_0 * wa + f2_0 * wb
            c1 = f1_1 * wa + f2_1 * wb
            out_v[0, pl.ds(i * L, L)] = c0
            out_v[1, pl.ds(i * L, L)] = c1
            return carry

        lax.fori_loop(0, TW // L, body, 0)
        pltpu.sync_copy(out_v, out_hbm.at[:, pl.ds(base, TW)])

    return k(rl_t)


def _moe_block_kernel(x_ref, comb_ref, w13c_ref, w13bc_ref, w2c_ref, w2b_ref,
                      y_ref):
    x = x_ref[...]
    c0 = comb_ref[:, 0:1]
    c1 = comb_ref[:, 1:2]
    xb = x.astype(jnp.bfloat16)
    gu = (jnp.dot(xb, w13c_ref[...], preferred_element_type=jnp.float32)
          + w13bc_ref[...])
    acts = []
    ybias = jnp.zeros((x.shape[0], _H), dtype=jnp.float32)
    for e, comb in ((0, c0), (1, c1)):
        g = gu[:, 2 * _I * e: 2 * _I * e + _I]
        u = gu[:, 2 * _I * e + _I: 2 * _I * (e + 1)]
        act = g * jax.nn.sigmoid(g) * u
        acts.append((comb * act).astype(jnp.bfloat16))
        ybias = ybias + comb * w2b_ref[e:e + 1, :]
    actcat = jnp.concatenate(acts, axis=-1)
    y_ref[...] = (jnp.dot(actcat, w2c_ref[...],
                          preferred_element_type=jnp.float32) + ybias)


def kernel(x, router_logits, w13, w13_bias, w2, w2_bias):
    T = x.shape[0]
    comb = _routing_combine_sc(router_logits.T, T).T
    w13c = jnp.transpose(w13, (2, 0, 1)).reshape(_H, _E_LOCAL * 2 * _I)
    w13c = w13c.astype(jnp.bfloat16)
    w13bc = w13_bias.reshape(1, _E_LOCAL * 2 * _I)
    w2c = jnp.transpose(w2, (0, 2, 1)).reshape(_E_LOCAL * _I, _H)
    w2c = w2c.astype(jnp.bfloat16)
    return pl.pallas_call(
        _moe_block_kernel,
        grid=(T // _BT,),
        in_specs=[
            pl.BlockSpec((_BT, _H), lambda i: (i, 0)),
            pl.BlockSpec((_BT, 2), lambda i: (i, 0)),
            pl.BlockSpec((_H, _E_LOCAL * 2 * _I), lambda i: (0, 0)),
            pl.BlockSpec((1, _E_LOCAL * 2 * _I), lambda i: (0, 0)),
            pl.BlockSpec((_E_LOCAL * _I, _H), lambda i: (0, 0)),
            pl.BlockSpec((_E_LOCAL, _H), lambda i: (0, 0)),
        ],
        out_specs=pl.BlockSpec((_BT, _H), lambda i: (i, 0)),
        out_shape=jax.ShapeDtypeStruct((T, _H), jnp.float32),
    )(x, comb, w13c, w13bc, w2c, w2_bias)

# --- scband reference (transcript-rebuilt; emitter-appended) ---
"""Pipeline reference for scband-dummy-mega-layer-34703335752023 (READ-ONLY COPY).

The authoritative reference and input builder live on the scoring server;
editing this copy changes nothing except your own understanding.
"""

import jax, jax.numpy as jnp
import numpy as np

H = 128            # hidden_size
I = 128            # intermediate_size_per_partition
E = 8              # num_experts (global)
E_LOCAL = 2        # num_local_experts (EP rank-local shard)
TOPK = 2
T = 32768          # tokens = batch 4 * seq 8192


def setup_inputs(seed: int = 0) -> dict:
    key = jax.random.key(seed)
    ks = jax.random.split(key, 6)
    x = jax.random.normal(ks[0], (T, H), dtype=jnp.float32)
    router_logits = jax.random.normal(ks[1], (T, E), dtype=jnp.float32)
    # dequantized-equivalent float weights for the local experts
    # w13: gated up-projection -> [E_local, 2*I, H]; w2: down-projection -> [E_local, H, I]
    w13 = jax.random.normal(ks[2], (E_LOCAL, 2 * I, H), dtype=jnp.float32) * 0.05
    w13_bias = jax.random.normal(ks[3], (E_LOCAL, 2 * I), dtype=jnp.float32) * 0.01
    w2 = jax.random.normal(ks[4], (E_LOCAL, H, I), dtype=jnp.float32) * 0.05
    w2_bias = jax.random.normal(ks[5], (E_LOCAL, H), dtype=jnp.float32) * 0.01
    return {"x": x, "router_logits": router_logits, "w13": w13,
            "w13_bias": w13_bias, "w2": w2, "w2_bias": w2_bias}


def reference(x, router_logits, w13, w13_bias, w2, w2_bias):
    # top-k routing: select top_k experts per token, softmax over selected logits
    topv, topi = jax.lax.top_k(router_logits, TOPK)            # [T, K]
    routing_w = jax.nn.softmax(topv, axis=-1)                  # [T, K]
    y = jnp.zeros((x.shape[0], H), dtype=x.dtype)
    # EP rank 0 owns global experts [0, E_LOCAL); tokens routed elsewhere contribute 0 locally
    for e in range(E_LOCAL):
        mask = (topi == e).astype(x.dtype)                     # [T, K]
        combine = jnp.sum(mask * routing_w, axis=-1)           # [T]
        gu = x @ w13[e].T + w13_bias[e]                        # [T, 2I] gated up-proj
        g, u = jnp.split(gu, 2, axis=-1)
        act = jax.nn.silu(g) * u                               # is_gated=True, activation='silu'
        out_e = act @ w2[e].T + w2_bias[e]                     # [T, H]
        y = y + combine[:, None] * out_e
    return y

if __name__ == "__main__":
    import jax
    _d = setup_inputs()
    print(jax.jit(kernel)(*tuple(_d.values())))

</pallas_src>

<mosaic_0001>
#map = affine_map<(d0, d1) -> (0, 0)>
module attributes {stable_mosaic.version = 14 : i64} {
  func.func @k(%arg0: i32, %arg1: i32, %arg2: memref<8x32768xf32, #tpu.memory_space<hbm>>, %arg3: memref<2x32768xf32, #tpu.memory_space<hbm>>, %arg4: memref<8x1024xf32, #tpu.memory_space<vmem>>, %arg5: memref<2x1024xf32, #tpu.memory_space<vmem>>) attributes {dimension_semantics = [#tpu.dimension_semantics<core_parallel>, #tpu.dimension_semantics<subcore_parallel>], iteration_bounds = array<i64: 2, 16>, scalar_prefetch = 0 : i64, scratch_operands = 2 : i64, tpu.core_type = #tpu.core_type<sc_vector_subcore>, window_params = [{transform_indices = #map}, {transform_indices = #map}]} {
    %mul3A = arith.constant 2 : i32
    %mul3A_0 = arith.muli %arg1, %mul3A : i32
    %add3A = arith.addi %mul3A_0, %arg0 : i32
    %mul3A_1 = arith.constant 1024 : i32
    %mul3A_2 = arith.muli %add3A, %mul3A_1 : i32
    "tpu.region"() ({
      %run_scoped3A = tpu.sem_alloc : memref<!tpu.dma_semaphore, #tpu.memory_space<semaphore_mem>>
      %dma_start3A = arith.constant 0 : i32
      %dma_start3A_8 = tpu.memref_slice %arg2[%dma_start3A, %mul3A_2] : memref<8x32768xf32, #tpu.memory_space<hbm>> -> memref<8x1024xf32, #tpu.memory_space<hbm>>
      %dma_start3A_9 = arith.constant 0 : i32
      %dma_start3A_10 = tpu.memref_slice %arg2[%dma_start3A_9, %mul3A_2] : memref<8x32768xf32, #tpu.memory_space<hbm>> -> memref<8x1024xf32, #tpu.memory_space<hbm>>
      tpu.enqueue_dma source(%dma_start3A_10 : memref<8x1024xf32, #tpu.memory_space<hbm>>) target(%arg4 : memref<8x1024xf32, #tpu.memory_space<vmem>>) target_semaphore(%run_scoped3A : memref<!tpu.dma_semaphore, #tpu.memory_space<semaphore_mem>>)
      %dma_wait3A = arith.constant 0 : i32
      %dma_wait3A_11 = tpu.memref_slice %arg2[%dma_wait3A, %mul3A_2] : memref<8x32768xf32, #tpu.memory_space<hbm>> -> memref<8x1024xf32, #tpu.memory_space<hbm>>
      %dma_wait3A_12 = arith.constant 0 : i32
      %dma_wait3A_13 = tpu.memref_slice %arg2[%dma_wait3A_12, %mul3A_2] : memref<8x32768xf32, #tpu.memory_space<hbm>> -> memref<8x1024xf32, #tpu.memory_space<hbm>>
      tpu.wait_dma2 semaphore(%run_scoped3A : memref<!tpu.dma_semaphore, #tpu.memory_space<semaphore_mem>>) src(%dma_wait3A_13 : memref<8x1024xf32, #tpu.memory_space<hbm>>) dst(%arg4 : memref<8x1024xf32, #tpu.memory_space<vmem>>)
      tpu.yield
    }) : () -> ()
    %scan3A = arith.constant 0 : i32
    %scan3A_3 = arith.constant 0 : i32
    %scan3A_4 = arith.constant 64 : i32
    %scan3A_5 = arith.addi %scan3A_3, %scan3A_4 : i32
    %scan3A_6 = arith.constant 1 : i32
    scf.for %scan3A_8 = %scan3A_3 to %scan3A_5 step %scan3A_6  : i32 {
      %mul3A_9 = arith.constant 16 : i32
      %mul3A_10 = arith.muli %scan3A_8, %mul3A_9 : i32
      %get3A = arith.constant 0 : i32
      %get3A_11 = arith.index_cast %get3A : i32 to index
      %get3A_12 = arith.index_cast %mul3A_10 : i32 to index
      %get3A_13 = tpu.vector_load %arg4[%get3A_11, %get3A_12] {strides = array<i32>} : memref<8x1024xf32, #tpu.memory_space<vmem>>, vector<1x16xf32>,
      %get3A_14 = vector.shape_cast %get3A_13 : vector<1x16xf32> to vector<16xf32>
      %mul3A_15 = arith.constant 16 : i32
      %mul3A_16 = arith.muli %scan3A_8, %mul3A_15 : i32
      %get3A_17 = arith.constant 1 : i32
      %get3A_18 = arith.index_cast %get3A_17 : i32 to index
      %get3A_19 = arith.index_cast %mul3A_16 : i32 to index
      %get3A_20 = tpu.vector_load %arg4[%get3A_18, %get3A_19] {strides = array<i32>} : memref<8x1024xf32, #tpu.memory_space<vmem>>, vector<1x16xf32>,
      %get3A_21 = vector.shape_cast %get3A_20 : vector<1x16xf32> to vector<16xf32>
      %mul3A_22 = arith.constant 16 : i32
      %mul3A_23 = arith.muli %scan3A_8, %mul3A_22 : i32
      %get3A_24 = arith.constant 2 : i32
      %get3A_25 = arith.index_cast %get3A_24 : i32 to index
      %get3A_26 = arith.index_cast %mul3A_23 : i32 to index
      %get3A_27 = tpu.vector_load %arg4[%get3A_25, %get3A_26] {strides = array<i32>} : memref<8x1024xf32, #tpu.memory_space<vmem>>, vector<1x16xf32>,
      %get3A_28 = vector.shape_cast %get3A_27 : vector<1x16xf32> to vector<16xf32>
      %mul3A_29 = arith.constant 16 : i32
      %mul3A_30 = arith.muli %scan3A_8, %mul3A_29 : i32
      %get3A_31 = arith.constant 3 : i32
      %get3A_32 = arith.index_cast %get3A_31 : i32 to index
      %get3A_33 = arith.index_cast %mul3A_30 : i32 to index
      %get3A_34 = tpu.vector_load %arg4[%get3A_32, %get3A_33] {strides = array<i32>} : memref<8x1024xf32, #tpu.memory_space<vmem>>, vector<1x16xf32>,
      %get3A_35 = vector.shape_cast %get3A_34 : vector<1x16xf32> to vector<16xf32>
      %mul3A_36 = arith.constant 16 : i32
      %mul3A_37 = arith.muli %scan3A_8, %mul3A_36 : i32
      %get3A_38 = arith.constant 4 : i32
      %get3A_39 = arith.index_cast %get3A_38 : i32 to index
      %get3A_40 = arith.index_cast %mul3A_37 : i32 to index
      %get3A_41 = tpu.vector_load %arg4[%get3A_39, %get3A_40] {strides = array<i32>} : memref<8x1024xf32, #tpu.memory_space<vmem>>, vector<1x16xf32>,
      %get3A_42 = vector.shape_cast %get3A_41 : vector<1x16xf32> to vector<16xf32>
      %mul3A_43 = arith.constant 16 : i32
      %mul3A_44 = arith.muli %scan3A_8, %mul3A_43 : i32
      %get3A_45 = arith.constant 5 : i32
      %get3A_46 = arith.index_cast %get3A_45 : i32 to index
      %get3A_47 = arith.index_cast %mul3A_44 : i32 to index
      %get3A_48 = tpu.vector_load %arg4[%get3A_46, %get3A_47] {strides = array<i32>} : memref<8x1024xf32, #tpu.memory_space<vmem>>, vector<1x16xf32>,
      %get3A_49 = vector.shape_cast %get3A_48 : vector<1x16xf32> to vector<16xf32>
      %mul3A_50 = arith.constant 16 : i32
      %mul3A_51 = arith.muli %scan3A_8, %mul3A_50 : i32
      %get3A_52 = arith.constant 6 : i32
      %get3A_53 = arith.index_cast %get3A_52 : i32 to index
      %get3A_54 = arith.index_cast %mul3A_51 : i32 to index
      %get3A_55 = tpu.vector_load %arg4[%get3A_53, %get3A_54] {strides = array<i32>} : memref<8x1024xf32, #tpu.memory_space<vmem>>, vector<1x16xf32>,
      %get3A_56 = vector.shape_cast %get3A_55 : vector<1x16xf32> to vector<16xf32>
      %mul3A_57 = arith.constant 16 : i32
      %mul3A_58 = arith.muli %scan3A_8, %mul3A_57 : i32
      %get3A_59 = arith.constant 7 : i32
      %get3A_60 = arith.index_cast %get3A_59 : i32 to index
      %get3A_61 = arith.index_cast %mul3A_58 : i32 to index
      %get3A_62 = tpu.vector_load %arg4[%get3A_60, %get3A_61] {strides = array<i32>} : memref<8x1024xf32, #tpu.memory_space<vmem>>, vector<1x16xf32>,
      %get3A_63 = vector.shape_cast %get3A_62 : vector<1x16xf32> to vector<16xf32>
      %max3A = arith.maximumf %get3A_14, %get3A_21 : vector<16xf32>
      %max3A_64 = arith.maximumf %max3A, %get3A_28 : vector<16xf32>
      %max3A_65 = arith.maximumf %max3A_64, %get3A_35 : vector<16xf32>
      %max3A_66 = arith.maximumf %max3A_65, %get3A_42 : vector<16xf32>
      %max3A_67 = arith.maximumf %max3A_66, %get3A_49 : vector<16xf32>
      %max3A_68 = arith.maximumf %max3A_67, %get3A_56 : vector<16xf32>
      %max3A_69 = arith.maximumf %max3A_68, %get3A_63 : vector<16xf32>
      %broadcast_in_dim3A = arith.constant 0.000000e+00 : f32
      %broadcast_in_dim3A_70 = vector.broadcast %broadcast_in_dim3A : f32 to vector<16xf32>
      %broadcast_in_dim3A_71 = arith.constant 0xFF800000 : f32
      %broadcast_in_dim3A_72 = vector.broadcast %broadcast_in_dim3A_71 : f32 to vector<16xf32>
      %eq3A = arith.cmpf oeq, %get3A_14, %max3A_69 : vector<16xf32>
      %jit3A = arith.constant 1.000000e+00 : f32
      %jit3A_73 = arith.constant 0.000000e+00 : f32
      %broadcast_in_dim3A_74 = vector.broadcast %jit3A : f32 to vector<16xf32>
      %broadcast_in_dim3A_75 = vector.broadcast %jit3A_73 : f32 to vector<16xf32>
      %select_n3A = arith.select %eq3A, %broadcast_in_dim3A_74, %broadcast_in_dim3A_75 : vector<16xi1>, vector<16xf32>
      %add3A_76 = arith.addf %broadcast_in_dim3A_70, %select_n3A : vector<16xf32>
      %jit3A_77 = arith.constant 0xFF800000 : f32
      %broadcast_in_dim3A_78 = vector.broadcast %jit3A_77 : f32 to vector<16xf32>
      %select_n3A_79 = arith.select %eq3A, %broadcast_in_dim3A_78, %get3A_14 : vector<16xi1>, vector<16xf32>
      %max3A_80 = arith.maximumf %broadcast_in_dim3A_72, %select_n3A_79 : vector<16xf32>
      %eq3A_81 = arith.cmpf oeq, %get3A_21, %max3A_69 : vector<16xf32>
      %jit3A_82 = arith.constant 1.000000e+00 : f32
      %jit3A_83 = arith.constant 0.000000e+00 : f32
      %broadcast_in_dim3A_84 = vector.broadcast %jit3A_82 : f32 to vector<16xf32>
      %broadcast_in_dim3A_85 = vector.broadcast %jit3A_83 : f32 to vector<16xf32>
      %select_n3A_86 = arith.select %eq3A_81, %broadcast_in_dim3A_84, %broadcast_in_dim3A_85 : vector<16xi1>, vector<16xf32>
      %add3A_87 = arith.addf %add3A_76, %select_n3A_86 : vector<16xf32>
      %jit3A_88 = arith.constant 0xFF800000 : f32
      %broadcast_in_dim3A_89 = vector.broadcast %jit3A_88 : f32 to vector<16xf32>
      %select_n3A_90 = arith.select %eq3A_81, %broadcast_in_dim3A_89, %get3A_21 : vector<16xi1>, vector<16xf32>
      %max3A_91 = arith.maximumf %max3A_80, %select_n3A_90 : vector<16xf32>
      %eq3A_92 = arith.cmpf oeq, %get3A_28, %max3A_69 : vector<16xf32>
      %jit3A_93 = arith.constant 1.000000e+00 : f32
      %jit3A_94 = arith.constant 0.000000e+00 : f32
      %broadcast_in_dim3A_95 = vector.broadcast %jit3A_93 : f32 to vector<16xf32>
      %broadcast_in_dim3A_96 = vector.broadcast %jit3A_94 : f32 to vector<16xf32>
      %select_n3A_97 = arith.select %eq3A_92, %broadcast_in_dim3A_95, %broadcast_in_dim3A_96 : vector<16xi1>, vector<16xf32>
      %add3A_98 = arith.addf %add3A_87, %select_n3A_97 : vector<16xf32>
      %jit3A_99 = arith.constant 0xFF800000 : f32
      %broadcast_in_dim3A_100 = vector.broadcast %jit3A_99 : f32 to vector<16xf32>
      %select_n3A_101 = arith.select %eq3A_92, %broadcast_in_dim3A_100, %get3A_28 : vector<16xi1>, vector<16xf32>
      %max3A_102 = arith.maximumf %max3A_91, %select_n3A_101 : vector<16xf32>
      %eq3A_103 = arith.cmpf oeq, %get3A_35, %max3A_69 : vector<16xf32>
      %jit3A_104 = arith.constant 1.000000e+00 : f32
      %jit3A_105 = arith.constant 0.000000e+00 : f32
      %broadcast_in_dim3A_106 = vector.broadcast %jit3A_104 : f32 to vector<16xf32>
      %broadcast_in_dim3A_107 = vector.broadcast %jit3A_105 : f32 to vector<16xf32>
      %select_n3A_108 = arith.select %eq3A_103, %broadcast_in_dim3A_106, %broadcast_in_dim3A_107 : vector<16xi1>, vector<16xf32>
      %add3A_109 = arith.addf %add3A_98, %select_n3A_108 : vector<16xf32>
      %jit3A_110 = arith.constant 0xFF800000 : f32
      %broadcast_in_dim3A_111 = vector.broadcast %jit3A_110 : f32 to vector<16xf32>
      %select_n3A_112 = arith.select %eq3A_103, %broadcast_in_dim3A_111, %get3A_35 : vector<16xi1>, vector<16xf32>
      %max3A_113 = arith.maximumf %max3A_102, %select_n3A_112 : vector<16xf32>
      %eq3A_114 = arith.cmpf oeq, %get3A_42, %max3A_69 : vector<16xf32>
      %jit3A_115 = arith.constant 1.000000e+00 : f32
      %jit3A_116 = arith.constant 0.000000e+00 : f32
      %broadcast_in_dim3A_117 = vector.broadcast %jit3A_115 : f32 to vector<16xf32>
      %broadcast_in_dim3A_118 = vector.broadcast %jit3A_116 : f32 to vector<16xf32>
      %select_n3A_119 = arith.select %eq3A_114, %broadcast_in_dim3A_117, %broadcast_in_dim3A_118 : vector<16xi1>, vector<16xf32>
      %add3A_120 = arith.addf %add3A_109, %select_n3A_119 : vector<16xf32>
      %jit3A_121 = arith.constant 0xFF800000 : f32
      %broadcast_in_dim3A_122 = vector.broadcast %jit3A_121 : f32 to vector<16xf32>
      %select_n3A_123 = arith.select %eq3A_114, %broadcast_in_dim3A_122, %get3A_42 : vector<16xi1>, vector<16xf32>
      %max3A_124 = arith.maximumf %max3A_113, %select_n3A_123 : vector<16xf32>
      %eq3A_125 = arith.cmpf oeq, %get3A_49, %max3A_69 : vector<16xf32>
      %jit3A_126 = arith.constant 1.000000e+00 : f32
      %jit3A_127 = arith.constant 0.000000e+00 : f32
      %broadcast_in_dim3A_128 = vector.broadcast %jit3A_126 : f32 to vector<16xf32>
      %broadcast_in_dim3A_129 = vector.broadcast %jit3A_127 : f32 to vector<16xf32>
      %select_n3A_130 = arith.select %eq3A_125, %broadcast_in_dim3A_128, %broadcast_in_dim3A_129 : vector<16xi1>, vector<16xf32>
      %add3A_131 = arith.addf %add3A_120, %select_n3A_130 : vector<16xf32>
      %jit3A_132 = arith.constant 0xFF800000 : f32
      %broadcast_in_dim3A_133 = vector.broadcast %jit3A_132 : f32 to vector<16xf32>
      %select_n3A_134 = arith.select %eq3A_125, %broadcast_in_dim3A_133, %get3A_49 : vector<16xi1>, vector<16xf32>
      %max3A_135 = arith.maximumf %max3A_124, %select_n3A_134 : vector<16xf32>
      %eq3A_136 = arith.cmpf oeq, %get3A_56, %max3A_69 : vector<16xf32>
      %jit3A_137 = arith.constant 1.000000e+00 : f32
      %jit3A_138 = arith.constant 0.000000e+00 : f32
      %broadcast_in_dim3A_139 = vector.broadcast %jit3A_137 : f32 to vector<16xf32>
      %broadcast_in_dim3A_140 = vector.broadcast %jit3A_138 : f32 to vector<16xf32>
      %select_n3A_141 = arith.select %eq3A_136, %broadcast_in_dim3A_139, %broadcast_in_dim3A_140 : vector<16xi1>, vector<16xf32>
      %add3A_142 = arith.addf %add3A_131, %select_n3A_141 : vector<16xf32>
      %jit3A_143 = arith.constant 0xFF800000 : f32
      %broadcast_in_dim3A_144 = vector.broadcast %jit3A_143 : f32 to vector<16xf32>
      %select_n3A_145 = arith.select %eq3A_136, %broadcast_in_dim3A_144, %get3A_56 : vector<16xi1>, vector<16xf32>
      %max3A_146 = arith.maximumf %max3A_135, %select_n3A_145 : vector<16xf32>
      %eq3A_147 = arith.cmpf oeq, %get3A_63, %max3A_69 : vector<16xf32>
      %jit3A_148 = arith.constant 1.000000e+00 : f32
      %jit3A_149 = arith.constant 0.000000e+00 : f32
      %broadcast_in_dim3A_150 = vector.broadcast %jit3A_148 : f32 to vector<16xf32>
      %broadcast_in_dim3A_151 = vector.broadcast %jit3A_149 : f32 to vector<16xf32>
      %select_n3A_152 = arith.select %eq3A_147, %broadcast_in_dim3A_150, %broadcast_in_dim3A_151 : vector<16xi1>, vector<16xf32>
      %add3A_153 = arith.addf %add3A_142, %select_n3A_152 : vector<16xf32>
      %jit3A_154 = arith.constant 0xFF800000 : f32
      %broadcast_in_dim3A_155 = vector.broadcast %jit3A_154 : f32 to vector<16xf32>
      %select_n3A_156 = arith.select %eq3A_147, %broadcast_in_dim3A_155, %get3A_63 : vector<16xi1>, vector<16xf32>
      %max3A_157 = arith.maximumf %max3A_146, %select_n3A_156 : vector<16xf32>
      %ge3A = arith.constant 2.000000e+00 : f32
      %ge3A_158 = vector.broadcast %ge3A : f32 to vector<16xf32>
      %ge3A_159 = arith.cmpf oge, %add3A_153, %ge3A_158 : vector<16xf32>
      %select_n3A_160 = arith.select %ge3A_159, %max3A_69, %max3A_157 : vector<16xi1>, vector<16xf32>
      %sub3A = arith.subf %select_n3A_160, %max3A_69 : vector<16xf32>
      %exp3A = math.exp %sub3A : vector<16xf32>
      %add3A_161 = arith.constant 1.000000e+00 : f32
      %add3A_162 = vector.broadcast %add3A_161 : f32 to vector<16xf32>
      %add3A_163 = arith.addf %add3A_162, %exp3A : vector<16xf32>
      %div3A = arith.constant 1.000000e+00 : f32
      %div3A_164 = vector.broadcast %div3A : f32 to vector<16xf32>
      %div3A_165 = arith.divf %div3A_164, %add3A_163 : vector<16xf32>
      %mul3A_166 = arith.mulf %exp3A, %div3A_165 : vector<16xf32>
      %eq3A_167 = arith.cmpf oeq, %get3A_14, %max3A_69 : vector<16xf32>
      %jit3A_168 = arith.constant 1.000000e+00 : f32
      %jit3A_169 = arith.constant 0.000000e+00 : f32
      %broadcast_in_dim3A_170 = vector.broadcast %jit3A_168 : f32 to vector<16xf32>
      %broadcast_in_dim3A_171 = vector.broadcast %jit3A_169 : f32 to vector<16xf32>
      %select_n3A_172 = arith.select %eq3A_167, %broadcast_in_dim3A_170, %broadcast_in_dim3A_171 : vector<16xi1>, vector<16xf32>
      %eq3A_173 = arith.cmpf oeq, %get3A_21, %max3A_69 : vector<16xf32>
      %jit3A_174 = arith.constant 1.000000e+00 : f32
      %jit3A_175 = arith.constant 0.000000e+00 : f32
      %broadcast_in_dim3A_176 = vector.broadcast %jit3A_174 : f32 to vector<16xf32>
      %broadcast_in_dim3A_177 = vector.broadcast %jit3A_175 : f32 to vector<16xf32>
      %select_n3A_178 = arith.select %eq3A_173, %broadcast_in_dim3A_176, %broadcast_in_dim3A_177 : vector<16xi1>, vector<16xf32>
      %sub3A_179 = arith.constant 1.000000e+00 : f32
      %sub3A_180 = vector.broadcast %sub3A_179 : f32 to vector<16xf32>
      %sub3A_181 = arith.subf %sub3A_180, %select_n3A_172 : vector<16xf32>
      %mul3A_182 = arith.mulf %select_n3A_178, %sub3A_181 : vector<16xf32>
      %eq3A_183 = arith.cmpf oeq, %get3A_14, %select_n3A_160 : vector<16xf32>
      %jit3A_184 = arith.constant 1.000000e+00 : f32
      %jit3A_185 = arith.constant 0.000000e+00 : f32
      %broadcast_in_dim3A_186 = vector.broadcast %jit3A_184 : f32 to vector<16xf32>
      %broadcast_in_dim3A_187 = vector.broadcast %jit3A_185 : f32 to vector<16xf32>
      %select_n3A_188 = arith.select %eq3A_183, %broadcast_in_dim3A_186, %broadcast_in_dim3A_187 : vector<16xi1>, vector<16xf32>
      %sub3A_189 = arith.constant 1.000000e+00 : f32
      %sub3A_190 = vector.broadcast %sub3A_189 : f32 to vector<16xf32>
      %sub3A_191 = arith.subf %sub3A_190, %select_n3A_172 : vector<16xf32>
      %mul3A_192 = arith.mulf %select_n3A_188, %sub3A_191 : vector<16xf32>
      %eq3A_193 = arith.cmpf oeq, %get3A_21, %select_n3A_160 : vector<16xf32>
      %jit3A_194 = arith.constant 1.000000e+00 : f32
      %jit3A_195 = arith.constant 0.000000e+00 : f32
      %broadcast_in_dim3A_196 = vector.broadcast %jit3A_194 : f32 to vector<16xf32>
      %broadcast_in_dim3A_197 = vector.broadcast %jit3A_195 : f32 to vector<16xf32>
      %select_n3A_198 = arith.select %eq3A_193, %broadcast_in_dim3A_196, %broadcast_in_dim3A_197 : vector<16xi1>, vector<16xf32>
      %sub3A_199 = arith.constant 1.000000e+00 : f32
      %sub3A_200 = vector.broadcast %sub3A_199 : f32 to vector<16xf32>
      %sub3A_201 = arith.subf %sub3A_200, %mul3A_182 : vector<16xf32>
      %mul3A_202 = arith.mulf %select_n3A_198, %sub3A_201 : vector<16xf32>
      %sub3A_203 = arith.constant 1.000000e+00 : f32
      %sub3A_204 = vector.broadcast %sub3A_203 : f32 to vector<16xf32>
      %sub3A_205 = arith.subf %sub3A_204, %mul3A_192 : vector<16xf32>
      %mul3A_206 = arith.mulf %mul3A_202, %sub3A_205 : vector<16xf32>
      %mul3A_207 = arith.mulf %select_n3A_172, %div3A_165 : vector<16xf32>
      %mul3A_208 = arith.mulf %mul3A_192, %mul3A_166 : vector<16xf32>
      %add3A_209 = arith.addf %mul3A_207, %mul3A_208 : vector<16xf32>
      %mul3A_210 = arith.mulf %mul3A_182, %div3A_165 : vector<16xf32>
      %mul3A_211 = arith.mulf %mul3A_206, %mul3A_166 : vector<16xf32>
      %add3A_212 = arith.addf %mul3A_210, %mul3A_211 : vector<16xf32>
      %mul3A_213 = arith.constant 16 : i32
      %mul3A_214 = arith.muli %scan3A_8, %mul3A_213 : i32
      %swap3A = arith.constant 0 : i32
      %swap3A_215 = arith.index_cast %swap3A : i32 to index
      %swap3A_216 = arith.index_cast %mul3A_214 : i32 to index
      %swap3A_217 = tpu.vector_load %arg5[%swap3A_215, %swap3A_216] {strides = array<i32>} : memref<2x1024xf32, #tpu.memory_space<vmem>>, vector<1x16xf32>,
      %swap3A_218 = vector.shape_cast %swap3A_217 : vector<1x16xf32> to vector<16xf32>
      %swap3A_219 = vector.shape_cast %add3A_209 : vector<16xf32> to vector<1x16xf32>
      tpu.vector_store %arg5[%swap3A_215, %swap3A_216], %swap3A_219 {strides = array<i32>} : memref<2x1024xf32, #tpu.memory_space<vmem>>, vector<1x16xf32>,
      %mul3A_220 = arith.constant 16 : i32
      %mul3A_221 = arith.muli %scan3A_8, %mul3A_220 : i32
      %swap3A_222 = arith.constant 1 : i32
      %swap3A_223 = arith.index_cast %swap3A_222 : i32 to index
      %swap3A_224 = arith.index_cast %mul3A_221 : i32 to index
      %swap3A_225 = tpu.vector_load %arg5[%swap3A_223, %swap3A_224] {strides = array<i32>} : memref<2x1024xf32, #tpu.memory_space<vmem>>, vector<1x16xf32>,
      %swap3A_226 = vector.shape_cast %swap3A_225 : vector<1x16xf32> to vector<16xf32>
      %swap3A_227 = vector.shape_cast %add3A_212 : vector<16xf32> to vector<1x16xf32>
      tpu.vector_store %arg5[%swap3A_223, %swap3A_224], %swap3A_227 {strides = array<i32>} : memref<2x1024xf32, #tpu.memory_space<vmem>>, vector<1x16xf32>,
    }
    %scan3A_7 = arith.constant 64 : i32
    "tpu.region"() ({
      %run_scoped3A = tpu.sem_alloc : memref<!tpu.dma_semaphore, #tpu.memory_space<semaphore_mem>>
      %dma_start3A = arith.constant 0 : i32
      %dma_start3A_8 = tpu.memref_slice %arg3[%dma_start3A, %mul3A_2] : memref<2x32768xf32, #tpu.memory_space<hbm>> -> memref<2x1024xf32, #tpu.memory_space<hbm>>
      %dma_start3A_9 = arith.constant 0 : i32
      %dma_start3A_10 = tpu.memref_slice %arg3[%dma_start3A_9, %mul3A_2] : memref<2x32768xf32, #tpu.memory_space<hbm>> -> memref<2x1024xf32, #tpu.memory_space<hbm>>
      tpu.enqueue_dma source(%arg5 : memref<2x1024xf32, #tpu.memory_space<vmem>>) target(%dma_start3A_10 : memref<2x1024xf32, #tpu.memory_space<hbm>>) target_semaphore(%run_scoped3A : memref<!tpu.dma_semaphore, #tpu.memory_space<semaphore_mem>>)
      %dma_wait3A = arith.constant 0 : i32
      %dma_wait3A_11 = tpu.memref_slice %arg3[%dma_wait3A, %mul3A_2] : memref<2x32768xf32, #tpu.memory_space<hbm>> -> memref<2x1024xf32, #tpu.memory_space<hbm>>
      %dma_wait3A_12 = arith.constant 0 : i32
      %dma_wait3A_13 = tpu.memref_slice %arg3[%dma_wait3A_12, %mul3A_2] : memref<2x32768xf32, #tpu.memory_space<hbm>> -> memref<2x1024xf32, #tpu.memory_space<hbm>>
      tpu.wait_dma2 semaphore(%run_scoped3A : memref<!tpu.dma_semaphore, #tpu.memory_space<semaphore_mem>>) src(%arg5 : memref<2x1024xf32, #tpu.memory_space<vmem>>) dst(%dma_wait3A_13 : memref<2x1024xf32, #tpu.memory_space<hbm>>)
      tpu.yield
    }) : () -> ()
    return
  }
}

module attributes {stable_mosaic.version = 14 : i64} {
  func.func @_moe_block_kernel(%arg0: i32, %arg1: memref<8192x128xf32, #tpu.memory_space<vmem>>, %arg2: memref<8192x2xf32, #tpu.memory_space<vmem>>, %arg3: memref<128x512xbf16, #tpu.memory_space<vmem>>, %arg4: memref<1x512xf32, #tpu.memory_space<vmem>>, %arg5: memref<256x128xbf16, #tpu.memory_space<vmem>>, %arg6: memref<2x128xf32, #tpu.memory_space<vmem>>, %arg7: memref<8192x128xf32, #tpu.memory_space<vmem>>) attributes {dimension_semantics = [#tpu.dimension_semantics<arbitrary>], iteration_bounds = array<i64: 4>, scalar_prefetch = 0 : i64, scratch_operands = 0 : i64, tpu.core_type = #tpu.core_type<tc>, window_params = [{transform_indices = @transform_0, window_bounds = array<i64: 8192, 128>}, {transform_indices = @transform_1, window_bounds = array<i64: 8192, 2>}, {pipeline_mode = #tpu.pipeline_mode<synchronous>, transform_indices = @transform_2, window_bounds = array<i64: 128, 512>}, {pipeline_mode = #tpu.pipeline_mode<synchronous>, transform_indices = @transform_3, window_bounds = array<i64: 1, 512>}, {pipeline_mode = #tpu.pipeline_mode<synchronous>, transform_indices = @transform_4, window_bounds = array<i64: 256, 128>}, {pipeline_mode = #tpu.pipeline_mode<synchronous>, transform_indices = @transform_5, window_bounds = array<i64: 2, 128>}, {transform_indices = @transform_6, window_bounds = array<i64: 8192, 128>}]} {
    %get3A = arith.constant 0 : index
    %get3A_0 = arith.constant 0 : index
    %get3A_1 = vector.load %arg1[%get3A, %get3A_0] : memref<8192x128xf32, #tpu.memory_space<vmem>>, vector<8192x128xf32>
    %get3A_2 = arith.constant 0 : index
    %get3A_3 = arith.constant 0 : index
    %get3A_4 = vector.load %arg2[%get3A_2, %get3A_3] : memref<8192x2xf32, #tpu.memory_space<vmem>>, vector<8192x1xf32>
    %get3A_5 = arith.constant 0 : index
    %get3A_6 = arith.constant 1 : index
    %get3A_7 = vector.load %arg2[%get3A_5, %get3A_6] : memref<8192x2xf32, #tpu.memory_space<vmem>>, vector<8192x1xf32>
    %convert_element_type3A = arith.truncf %get3A_1 : vector<8192x128xf32> to vector<8192x128xbf16>
    %get3A_8 = arith.constant 0 : index
    %get3A_9 = arith.constant 0 : index
    %get3A_10 = vector.load %arg3[%get3A_8, %get3A_9] : memref<128x512xbf16, #tpu.memory_space<vmem>>, vector<128x512xbf16>
    %dot_general3A = arith.constant dense<0.000000e+00> : vector<8192x512xf32>
    %dot_general3A_11 = tpu.matmul %convert_element_type3A, %get3A_10, %dot_general3A {dimension_numbers = #tpu.dot_dimension_numbers<[1], [0], [0], [1], [0, 0, 1, 1], [], []>, transpose_lhs_hint = false} : vector<8192x128xbf16>, vector<128x512xbf16>, vector<8192x512xf32> -> vector<8192x512xf32>
    %get3A_12 = arith.constant 0 : index
    %get3A_13 = arith.constant 0 : index
    %get3A_14 = vector.load %arg4[%get3A_12, %get3A_13] : memref<1x512xf32, #tpu.memory_space<vmem>>, vector<1x512xf32>
    %add3A = vector.broadcast %get3A_14 : vector<1x512xf32> to vector<8192x512xf32>
    %add3A_15 = arith.addf %dot_general3A_11, %add3A : vector<8192x512xf32>
    %broadcast_in_dim3A = arith.constant 0.000000e+00 : f32
    %broadcast_in_dim3A_16 = vector.broadcast %broadcast_in_dim3A : f32 to vector<8192x128xf32>
    %slice3A = vector.extract_strided_slice %add3A_15 {offsets = [0, 0], sizes = [8192, 128], strides = [1, 1]} : vector<8192x512xf32> to vector<8192x128xf32>
    %slice3A_17 = vector.extract_strided_slice %add3A_15 {offsets = [0, 128], sizes = [8192, 128], strides = [1, 1]} : vector<8192x512xf32> to vector<8192x128xf32>
    %logistic3A = arith.negf %slice3A : vector<8192x128xf32>
    %logistic3A_18 = math.exp %logistic3A : vector<8192x128xf32>
    %logistic3A_19 = arith.constant 1.000000e+00 : f32
    %logistic3A_20 = vector.broadcast %logistic3A_19 : f32 to vector<8192x128xf32>
    %logistic3A_21 = arith.addf %logistic3A_20, %logistic3A_18 : vector<8192x128xf32>
    %logistic3A_22 = arith.divf %logistic3A_20, %logistic3A_21 : vector<8192x128xf32>
    %mul3A = arith.mulf %slice3A, %logistic3A_22 : vector<8192x128xf32>
    %mul3A_23 = arith.mulf %mul3A, %slice3A_17 : vector<8192x128xf32>
    %mul3A_24 = vector.broadcast %get3A_4 : vector<8192x1xf32> to vector<8192x128xf32>
    %mul3A_25 = arith.mulf %mul3A_24, %mul3A_23 : vector<8192x128xf32>
    %convert_element_type3A_26 = arith.truncf %mul3A_25 : vector<8192x128xf32> to vector<8192x128xbf16>
    %get3A_27 = arith.constant 0 : index
    %get3A_28 = arith.constant 0 : index
    %get3A_29 = vector.load %arg6[%get3A_27, %get3A_28] : memref<2x128xf32, #tpu.memory_space<vmem>>, vector<1x128xf32>
    %mul3A_30 = vector.broadcast %get3A_4 : vector<8192x1xf32> to vector<8192x128xf32>
    %mul3A_31 = vector.broadcast %get3A_29 : vector<1x128xf32> to vector<8192x128xf32>
    %mul3A_32 = arith.mulf %mul3A_30, %mul3A_31 : vector<8192x128xf32>
    %add3A_33 = arith.addf %broadcast_in_dim3A_16, %mul3A_32 : vector<8192x128xf32>
    %slice3A_34 = vector.extract_strided_slice %add3A_15 {offsets = [0, 256], sizes = [8192, 128], strides = [1, 1]} : vector<8192x512xf32> to vector<8192x128xf32>
    %slice3A_35 = vector.extract_strided_slice %add3A_15 {offsets = [0, 384], sizes = [8192, 128], strides = [1, 1]} : vector<8192x512xf32> to vector<8192x128xf32>
    %logistic3A_36 = arith.negf %slice3A_34 : vector<8192x128xf32>
    %logistic3A_37 = math.exp %logistic3A_36 : vector<8192x128xf32>
    %logistic3A_38 = arith.constant 1.000000e+00 : f32
    %logistic3A_39 = vector.broadcast %logistic3A_38 : f32 to vector<8192x128xf32>
    %logistic3A_40 = arith.addf %logistic3A_39, %logistic3A_37 : vector<8192x128xf32>
    %logistic3A_41 = arith.divf %logistic3A_39, %logistic3A_40 : vector<8192x128xf32>
    %mul3A_42 = arith.mulf %slice3A_34, %logistic3A_41 : vector<8192x128xf32>
    %mul3A_43 = arith.mulf %mul3A_42, %slice3A_35 : vector<8192x128xf32>
    %mul3A_44 = vector.broadcast %get3A_7 : vector<8192x1xf32> to vector<8192x128xf32>
    %mul3A_45 = arith.mulf %mul3A_44, %mul3A_43 : vector<8192x128xf32>
    %convert_element_type3A_46 = arith.truncf %mul3A_45 : vector<8192x128xf32> to vector<8192x128xbf16>
    %get3A_47 = arith.constant 1 : index
    %get3A_48 = arith.constant 0 : index
    %get3A_49 = vector.load %arg6[%get3A_47, %get3A_48] : memref<2x128xf32, #tpu.memory_space<vmem>>, vector<1x128xf32>
    %mul3A_50 = vector.broadcast %get3A_7 : vector<8192x1xf32> to vector<8192x128xf32>
    %mul3A_51 = vector.broadcast %get3A_49 : vector<1x128xf32> to vector<8192x128xf32>
    %mul3A_52 = arith.mulf %mul3A_50, %mul3A_51 : vector<8192x128xf32>
    %add3A_53 = arith.addf %add3A_33, %mul3A_52 : vector<8192x128xf32>
    %concatenate3A = tpu.concatenate %convert_element_type3A_26, %convert_element_type3A_46 in 1 : vector<8192x128xbf16>, vector<8192x128xbf16> -> vector<8192x256xbf16>
    %get3A_54 = arith.constant 0 : index
    %get3A_55 = arith.constant 0 : index
    %get3A_56 = vector.load %arg5[%get3A_54, %get3A_55] : memref<256x128xbf16, #tpu.memory_space<vmem>>, vector<256x128xbf16>
    %dot_general3A_57 = arith.constant dense<0.000000e+00> : vector<8192x128xf32>
    %dot_general3A_58 = tpu.matmul %concatenate3A, %get3A_56, %dot_general3A_57 {dimension_numbers = #tpu.dot_dimension_numbers<[1], [0], [0], [1], [0, 0, 1, 1], [], []>, transpose_lhs_hint = false} : vector<8192x256xbf16>, vector<256x128xbf16>, vector<8192x128xf32> -> vector<8192x128xf32>
    %add3A_59 = arith.addf %dot_general3A_58, %add3A_53 : vector<8192x128xf32>
    %swap3A = arith.constant 0 : index
    %swap3A_60 = arith.constant 0 : index
    %swap3A_61 = vector.load %arg7[%swap3A, %swap3A_60] : memref<8192x128xf32, #tpu.memory_space<vmem>>, vector<8192x128xf32>
    tpu.vector_store %arg7[%swap3A, %swap3A_60], %add3A_59 {strides = array<i32>} : memref<8192x128xf32, #tpu.memory_space<vmem>>, vector<8192x128xf32>,
    return
  }
  func.func @transform_0(%arg0: i32) -> (i32, i32) {
    %c0_i32 = arith.constant 0 : i32
    %c0_i32_0 = arith.constant 0 : i32
    return %arg0, %c0_i32 : i32, i32
  }
  func.func @transform_1(%arg0: i32) -> (i32, i32) {
    %c0_i32 = arith.constant 0 : i32
    %c0_i32_0 = arith.constant 0 : i32
    return %arg0, %c0_i32 : i32, i32
  }
  func.func @transform_2(%arg0: i32) -> (i32, i32) {
    %c0_i32 = arith.constant 0 : i32
    %c0_i32_0 = arith.constant 0 : i32
    %c0_i32_1 = arith.constant 0 : i32
    return %c0_i32, %c0_i32_0 : i32, i32
  }
  func.func @transform_3(%arg0: i32) -> (i32, i32) {
    %c0_i32 = arith.constant 0 : i32
    %c0_i32_0 = arith.constant 0 : i32
    %c0_i32_1 = arith.constant 0 : i32
    return %c0_i32, %c0_i32_0 : i32, i32
  }
  func.func @transform_4(%arg0: i32) -> (i32, i32) {
    %c0_i32 = arith.constant 0 : i32
    %c0_i32_0 = arith.constant 0 : i32
    %c0_i32_1 = arith.constant 0 : i32
    return %c0_i32, %c0_i32_0 : i32, i32
  }
  func.func @transform_5(%arg0: i32) -> (i32, i32) {
    %c0_i32 = arith.constant 0 : i32
    %c0_i32_0 = arith.constant 0 : i32
    %c0_i32_1 = arith.constant 0 : i32
    return %c0_i32, %c0_i32_0 : i32, i32
  }
  func.func @transform_6(%arg0: i32) -> (i32, i32) {
    %c0_i32 = arith.constant 0 : i32
    %c0_i32_0 = arith.constant 0 : i32
    return %arg0, %c0_i32 : i32, i32
  }
}

</mosaic_0001>

<sc_bundles>
// kernel: kernel.4.cloned.1.call-start
scs
__scs_entry_jumppad:
0x0: {  	(pc) =	sbr.rel $0x88, $3  }
0x1: {  	(tag) =	ssettag $0x0;
	lr =	simm.s32 $0x1  }
0x2: {  	[smem:$0x3F9B] =	sst lr;
	_ =	strace $0xD0000000  }
0x3: {  	_ = 	snop  }
0x4: {  	_ = 	snop  }
0x5: {  	_ = 	snop  }
0x6: {  	_ = 	snop  }
0x7: {  	_ = 	snop  }
__scs_overlays_trampoline_lowered:
0x8: {  	[smem:$0x3FAA] =	sst s0  }
0x9: {  	[smem:$0x3FAB] =	sst s1  }
0xa: {  	[smem:$0x3FAC] =	sst s2  }
0xb: {  	[smem:$0x3FAD] =	sst s3  }
0xc: {  	[smem:$0x3FAE] =	sst s4  }
0xd: {  	[smem:$0x3FAF] =	sst s5  }
0xe: {  	[smem:$0x3FB0] =	sst s6  }
0xf: {  	[smem:$0x3FB1] =	sst s7  }
0x10: {  	[smem:$0x3FB2] =	sst s8  }
0x11: {  	[smem:$0x3FB3] =	sst s9;
	s0 =	simm.s32 @!p0 $0x0  }
0x12: {  	s1 =	sld [smem:$0x3F99];
	s0 =	simm.s32 @p0 $0x1  }
0x13: {  	[smem:$0x3FB4] =	sst s0;
	s0 =	simm.s32 @!p1 $0x0  }
0x14: {  	s2 =	sld [smem:$0x3F98];
	s0 =	simm.s32 @p1 $0x1  }
0x15: {  	[smem:$0x3FB5] =	sst s0;
	s0 =	simm.s32 @!p2 $0x0  }
0x16: {  	s3 =	sld [smem:$0x3FDB];
	s0 =	simm.s32 @p2 $0x1  }
0x17: {  	s4 =	simm.s32 $0x1BF5;
	[smem:$0x3FB7] =	sst s0  }
0x18: {  	s0 =	sld [smem:$0x3F9A];
	_ =	swait.ge [sflag:s4], $0x0  }
0x19: {  	s7 =	sld [smem:$0x3F9B]  }
0x1a: {  	s8 =	sadd.s32 $0xFFFFE003, lr  }
0x1b: {  	s9 =	sadd.s32 $0xFFFFFEF7, lr;
	s5 =	simm.s32 $0xFFFFFFFF;
	p2 =	slt.u32 s8, $0xFFFFF086  }
0x1c: {  	p1 =	slt.u32 s9, $0xF7A;
	s5 =	simm.s32 @!p2 $0x0  }
0x1d: {  	s5 =	simm.s32 @p1 $0x1;
	p0 =	seq.s32 s7, s2  }
0x1e: {  	s7 =	smul.u32 @!p0 $0xF7A, s2;
	p2 =	seq.s32 @!p0 s5, $0x0  }
0x1f: {  	s9 =	smul.u32 $0xF7A, s1;
	s8 =	simm.s32 @!p0 $0x1BF5;
	p2 =	por !p2, p0  }
0x20: {  	[sflag:s8] =	ssyncset.s32 @!p0 $0xFFFFF086;
	s6 =	sadd.s32 @!p0 s3, s7;
	s7 =	simm.s32 @!p0 $0x108  }
0x21: {  	s3 =	sadd.s32 s3, s9;
	s6 =	sadd.s32 @!p0 $0x88, s6;
	s7 =	simm.s32 @p2 $0x1082  }
0x22: {  	[simem:s7], [sflag:s8] =	dma.local @!p0 [hbm:s6], $0xF7A  }
0x23: {  	s9 =	sor.u32 $0xD0000000, s2;
	s6 =	simm.s32 $0x108;
	_ =	swait.ge @!p0 [sflag:s8], $0x0  }
0x24: {  	s3 =	sadd.s32 $0x88, s3;
	s6 =	simm.s32 @!p1 $0x1082;
	[sflag:s4] =	ssyncset.s32 $0xFFFFF086  }
0x25: {  	[simem:s6], [sflag:s4] =	dma.local [hbm:s3], $0xF7A  }
0x26: {  	[smem:$0x3F9B] =	sst s1;
	(tag) =	ssettag s2;
	_ =	strace s9  }
0x27: {  	s1 =	sld [smem:$0x3FAB]  }
0x28: {  	s2 =	sld [smem:$0x3FAC]  }
0x29: {  	s4 =	sld [smem:$0x3FAE]  }
0x2a: {  	p0 =	seq.s32 s5, $0x0;
	s5 =	sld [smem:$0x3FAF]  }
0x2b: {  	s6 =	sld [smem:$0x3FB0]  }
0x2c: {  	s7 =	sld [smem:$0x3FB1]  }
0x2d: {  	s3 =	simm.s32 $0x108;
	s8 =	sld [smem:$0x3FB2]  }
0x2e: {  	s3 =	simm.s32 @!p0 $0x1082;
	s9 =	sld [smem:$0x3FB3]  }
0x2f: {  	lr =	sadd.s32 s0, s3;
	s0 =	sld [smem:$0x3FAA]  }
0x30: {  	s3 =	sld [smem:$0x3FAD]  }
0x31: {  	[smem:$0x3FB6] =	sst s10  }
0x32: {  	s10 =	sld [smem:$0x3FB4];
	_ =	sdelay $0x3  }
0x33: {  	p0 =	seq.s32 s10, $0x1;
	s10 =	sld [smem:$0x3FB6];
	_ =	sdelay $0x3  }
0x34: {  	[smem:$0x3FB6] =	sst s10  }
0x35: {  	s10 =	sld [smem:$0x3FB5];
	_ =	sdelay $0x3  }
0x36: {  	p1 =	seq.s32 s10, $0x1;
	s10 =	sld [smem:$0x3FB6];
	_ =	sdelay $0x3  }
0x37: {  	[smem:$0x3FB6] =	sst s10  }
0x38: {  	s10 =	sld [smem:$0x3FB7]  }
0x39: {  	_ = 	snop;
	(pc) =	sbr.ind lr, $3  }
0x3a: {  	_ = 	snop  }
0x3b: {  	_ = 	snop  }
0x3c: {  	p2 =	seq.s32 s10, $0x1;
	s10 =	sld [smem:$0x3FB6]  }
0x3d: {  	_ =	shalt  }
0x3e: {  	_ =	shalt  }
0x3f: {  	_ =	shalt  }
0x40: {  	_ =	shalt  }
0x41: {  	_ =	shalt  }
0x42: {  	_ =	shalt  }
0x43: {  	_ =	shalt  }
0x44: {  	_ =	shalt  }
0x45: {  	_ =	shalt  }
0x46: {  	_ =	shalt  }
0x47: {  	_ =	shalt  }
0x48: {  	_ =	shalt  }
0x49: {  	_ =	shalt  }
0x4a: {  	_ =	shalt  }
0x4b: {  	_ =	shalt  }
0x4c: {  	_ =	shalt  }
0x4d: {  	_ =	shalt  }
0x4e: {  	_ =	shalt  }
0x4f: {  	_ =	shalt  }
0x50: {  	_ =	shalt  }
0x51: {  	_ =	shalt  }
0x52: {  	_ =	shalt  }
0x53: {  	_ =	shalt  }
0x54: {  	_ =	shalt  }
0x55: {  	_ =	shalt  }
0x56: {  	_ =	shalt  }
0x57: {  	_ =	shalt  }
0x58: {  	_ =	shalt  }
0x59: {  	_ =	shalt  }
0x5a: {  	_ =	shalt  }
0x5b: {  	_ =	shalt  }
0x5c: {  	_ =	shalt  }
0x5d: {  	_ =	shalt  }
0x5e: {  	_ =	shalt  }
0x5f: {  	_ =	shalt  }
0x60: {  	_ =	shalt  }
0x61: {  	_ =	shalt  }
0x62: {  	_ =	shalt  }
0x63: {  	_ =	shalt  }
0x64: {  	_ =	shalt  }
0x65: {  	_ =	shalt  }
0x66: {  	_ =	shalt  }
0x67: {  	_ =	shalt  }
0x68: {  	_ =	shalt  }
0x69: {  	_ =	shalt  }
0x6a: {  	_ =	shalt  }
0x6b: {  	_ =	shalt  }
0x6c: {  	_ =	shalt  }
0x6d: {  	_ =	shalt  }
0x6e: {  	_ =	shalt  }
0x6f: {  	_ =	shalt  }
0x70: {  	_ =	shalt  }
0x71: {  	_ =	shalt  }
0x72: {  	_ =	shalt  }
0x73: {  	_ =	shalt  }
0x74: {  	_ =	shalt  }
0x75: {  	_ =	shalt  }
0x76: {  	_ =	shalt  }
0x77: {  	_ =	shalt  }
0x78: {  	_ =	shalt  }
0x79: {  	_ =	shalt  }
0x7a: {  	_ =	shalt  }
0x7b: {  	_ =	shalt  }
0x7c: {  	_ =	shalt  }
0x7d: {  	_ =	shalt  }
0x7e: {  	_ =	shalt  }
0x7f: {  	_ =	shalt  }
0x80: {  	_ =	shalt  }
0x81: {  	_ =	shalt  }
0x82: {  	_ =	shalt  }
0x83: {  	_ =	shalt  }
0x84: {  	_ =	shalt  }
0x85: {  	_ =	shalt  }
0x86: {  	_ =	shalt  }
0x87: {  	_ =	shalt  }
.Lfunc_end0:
.L_simem_size_0:
called_computation_lowered:
.L_overlay_start_0:
0x88: {  	s2 =	sld [smem:$0x3FD9]  }
0x89: {  	s3 =	sld [smem:$0x3FFE];
	_ =	sdelay $0x1  }
0x8a: {  	s1 =	srdreg.scid  }
0x8b: {  	s0 =	sand.u32 $0x1, s1  }
0x8c: {  	s18 =	sshll.u32 s0, $0xA;
	s2 =	sadd.s32 s3, s2  }
0x8d: {  	s2 =	sadd.s32 s2, s18  }
0x8e: {  	[smem:$0x3FC2] =	sst s2  }
0x8f: {  	_ = 	snop  }
0x90: {  	s2 =	sld [smem:$0x3FC8]  }
0x91: {  	s19 =	sld [smem:$0x3FD0];
	(tm) =	ssettm $0x1  }
0x92: {  	s4 =	sld [smem:$0x3FFB];
	_ =	sdelay $0x3  }
0x93: {  	_ =	strace s4  }
0x94: {  	s4 =	sld [smem:$0x3FFC];
	_ =	sdelay $0x3  }
0x95: {  	_ =	strace s4  }
0x96: {  	s4 =	sld [smem:$0x3FFD];
	_ =	sdelay $0x3  }
0x97: {  	_ =	strace s4  }
0x98: {  	_ =	strace $0x8FFFFFFF  }
0x99: {  	s20 =	sld [smem:$0x3FDB];
	_ =	sdelay $0x1  }
0x9a: {  	s5 =	simm.s32 $_scs_section_size  }
0x9b: {  	s6 =	simm.s32 $_size__tile_overlayer_lowered;
	s7 =	simm.s32 $_tile_overlayer_lowered  }
0x9c: {  	s23 =	simm.s32 $0x1BFF;
	s22 =	sshll.u32 s7, $0x1;
	s4 =	sadd.s32 s5, s20  }
0x9d: {  	s8 =	simm.s32 $0x0;
	s21 =	sshll.u32 s6, $0x1;
	s6 =	sadd.s32 s22, s4  }
0x9e: {  	[timem:s8], [sflag:s23] =	dma.local [hbm:s6], s21  }
0x9f: {  	_ =	swait.ge [sflag:s23], s21  }
0xa0: {  	s5 =	ssub.s32 $0x0, s21;
	[sflag:s23] =	ssyncset.done $0x0  }
0xa1: {  	[sflag:s23] =	ssyncadd.s32 s5;
	_ =	sdelay $0x1  }
0xa2: {  	s24 =	simm.s32 $0x1B8B  }
0xa3: {  	_ =	swait.ge [sflag:s24], $0x1  }
0xa4: {  	[sflag:s24] =	ssyncset.done $0x0  }
0xa5: {  	s25 =	simm.s32 $0x1B8E;
	[sflag:s24] =	ssyncadd.s32 $0xFFFFFFFF  }
0xa6: {  	s26 =	simm.s32 $execute0_lowered;
	[smem:$0x3FD2] =	sst s25  }
0xa7: {  	s5 =	sshll.u32 s26, $0x1;
	_ =	strace $0x80000046;
	[dreg:$0x1] =	wrdreg $0xFFFFFFFF  }
0xa8: {  	s28 =	simm.s32 $_size_execute0_lowered;
	s4 =	sadd.s32 s4, s5;
	[dreg:$0x0] =	wrdreg $0x0  }
0xa9: {  	s5 =	sshll.u32 s28, $0x1;
	[dreg:$0x2] =	wrdreg s4  }
0xaa: {  	[dreg:$0x3] =	wrdreg s5  }
0xab: {  	[dreg:$0x4] =	wrdreg $0xC0  }
0xac: {  	_ =	task [dreg:s8], $0x5FFFF  }
0xad: {  	[dreg:$0x1] =	wrdreg $0xFFFFFFFF  }
0xae: {  	[dreg:$0x0] =	wrdreg $0x60  }
0xaf: {  	[dreg:$0x2] =	wrdreg s2  }
0xb0: {  	[dreg:$0x3] =	wrdreg s19  }
0xb1: {  	[dreg:$0x4] =	wrdreg $0x9  }
0xb2: {  	_ =	task.clear_ibuf [dreg:s8], $0x5FFFF;
	_ =	strace $0x90000046  }
0xb3: {  	s29 =	simm.s32 $0x9;
	_ =	strace $0x80000048  }
0xb4: {  	_ =	swait.ge [sflag:s29], $0x1  }
0xb5: {  	[sflag:s29] =	ssyncadd.s32 $0xFFFFFFFF  }
0xb6: {  	_ =	strace $0x90000048  }
0xb7: {  	_ =	sfence  }
0xb8: {  	s30 =	sld [smem:$0x0];
	_ =	sdelay $0x2  }
0xb9: {  	s31 =	sshll.u32 s1, $0xD;
	s1 =	sshrl.u32 s1, $0x2  }
0xba: {  	s3 =	sand.u32 $0x4000, s31;
	s1 =	sadd.s32 s1, s30  }
0xbb: {  	s0 =	sor.u32 s3, s0;
	s1 =	sshll.u32 s1, $0x11  }
0xbc: {  	s0 =	sor.u32 s1, s0  }
0xbd: {  	s0 =	sadd.s32 $0x8F2B, s0  }
0xbe: {  	[sflag:s0] =	ssyncadd.remote.s32 $0x1  }
0xbf: {  	_ =	sfence.sel $0xFFFF  }
0xc0: {  	[dreg:$0x0] =	wrdreg $0xFFFFFFFF;
	(pc) =	sbr.abs _section_cstart, $3  }
0xc1: {  	[dreg:$0x1] =	wrdreg $0xFFFFFFFF  }
0xc2: {  	_ =	task.clear_ibuf [dreg:s8], $0x2FFFF;
	_ =	strace $0x9FFFFFFF  }
0xc3: {  	(tm) =	ssettm $0x7FFFFFFF  }
tec
execute0_lowered:
.L_overlay_start_1:
0x0: {  	(tag) =	ssettag $0x1  }
0x1: {  	s3 =	rddreg [dreg:$0x0]  }
0x2: {  	s4 =	rddreg [dreg:$0x1]  }
0x3: {  	s0 =	rddreg [dreg:$0x2];
	s5 =	srdreg.scid  }
0x4: {  	s2 =	simm.s32 $0x0;
	s1 =	stileid.u32;
	s5 =	sand.u32 $0x1, s5  }
0x5: {  	s7 =	sshll.u32 s1, $0xB;
	s6 =	ssub.s32 $0x2, s5;
	s5 =	sshll.u32 s5, $0xA  }
0x6: {  	[smem:$0x7FF] =	sst s2;
	s8 =	sshrl.u32 s6, $0x1;
	s5 =	sor.u32 s5, s7  }
0x7: {  	_ =	strace $0x80000047;
	s6 =	ssub.s32 s6, s8;
	s7 =	sshrl.u32 s5, $0x2  }
0x8: {  	s3 =	sadd.s32 s3, s5;
	s8 =	simm.s32 $0x0;
	s4 =	sadd.s32 s4, s7  }
0x9: {  	v0 =	vimm.f32 $0.0e+00;
	s5 =	smax.u32 s6, $0x1;
	s6 =	simm.s32 $0x1;
	s7 =	simm.s32 $0x2000  }
.LBB2_1:
0xa: {  	[tilespmem:s2], [sflag:$0x1] =	stream.linear.gather [hbm4b:s3+s2], $0x2000, $0x38;
	[tilespmem:$0x2800] =	vst v63  }
0xb: {  	s9 =	simm.s32 $0x0;
	_ =	swait.ge [sflag:s6], $0x2000  }
0xc: {  	s10 =	sand.u32 $0x70, s2;
	s9 =	sand.u32 $0x3FFFFC00, s9;
	[sflag:s6] =	ssyncset.done $0x0  }
0xd: {  	s9 =	sor.u32 s10, s9;
	[sflag:s6] =	ssyncadd.s32 $0xFFFFE000  }
0xe: {  	v1 =	vld [tilespmem:s9+$0x0]  }
0xf: {  	v2 =	vld [tilespmem:s9+$0x80]  }
0x10: {  	v3 =	vld [tilespmem:s9+$0x100]  }
0x11: {  	v4 =	vld [tilespmem:s9+$0x180]  }
0x12: {  	v5 =	vld [tilespmem:s9+$0x200]  }
0x13: {  	v6 =	vld [tilespmem:s9+$0x280]  }
0x14: {  	v7 =	vld [tilespmem:s9+$0x300];
	v8 =	vmax.f32 v1, v2  }
0x15: {  	v9 =	vld [tilespmem:s9+$0x380];
	v8 =	vmax.f32 v8, v3  }
0x16: {  	v8 =	vmax.f32 v8, v4  }
0x17: {  	v8 =	vmax.f32 v8, v5  }
0x18: {  	v8 =	vmax.f32 v8, v6  }
0x19: {  	v8 =	vmax.f32 v8, v7  }
0x1a: {  	v8 =	vmax.f32 v8, v9  }
0x1b: {  	vm0 =	veq.f32 v1, v8;
	vm1 =	veq.f32 v2, v8  }
0x1c: {  	v10 =	vsel vm0, $0x3F800000, v0;
	v11 =	vsel vm1, $0x3F800000, v0  }
0x1d: {  	vm2 =	veq.f32 v3, v8;
	v12 =	vsel vm1, $0xFF800000, v2;
	v13 =	vadd.f32 v11, v10  }
0x1e: {  	v15 =	vsel vm2, $0x3F800000, v0;
	v14 =	vmax.f32 v1, v12  }
0x1f: {  	vm9 =	veq.f32 v4, v8;
	v12 =	vsel vm0, v12, v14;
	v13 =	vadd.f32 v13, v15  }
0x20: {  	v49 =	vsel vm9, $0x3F800000, v0;
	v3 =	vmax.f32 v12, v3  }
0x21: {  	vm10 =	veq.f32 v5, v8;
	v3 =	vsel vm2, v12, v3;
	v50 =	vadd.f32 v13, v49  }
0x22: {  	v51 =	vsel vm10, $0x3F800000, v0;
	v4 =	vmax.f32 v3, v4  }
0x23: {  	vm11 =	veq.f32 v6, v8;
	v3 =	vsel vm9, v3, v4;
	v52 =	vadd.f32 v50, v51  }
0x24: {  	v53 =	vsel vm11, $0x3F800000, v0;
	v5 =	vmax.f32 v3, v5  }
0x25: {  	vm12 =	veq.f32 v7, v8;
	v3 =	vsel vm10, v3, v5;
	v4 =	vadd.f32 v52, v53  }
0x26: {  	v54 =	vsel vm12, $0x3F800000, v0;
	v5 =	vmax.f32 v3, v6  }
0x27: {  	vm13 =	veq.f32 v9, v8;
	v3 =	vsel vm11, v3, v5;
	v4 =	vadd.f32 v4, v54  }
0x28: {  	v55 =	vsel vm13, $0x3F800000, v0;
	v5 =	vmax.f32 v3, v7  }
0x29: {  	v3 =	vsel vm12, v3, v5;
	v4 =	vadd.f32 v4, v55  }
0x2a: {  	v5 =	vmax.f32 v3, v9  }
0x2b: {  	v3 =	vsel vm13, v3, v5;
	vm14 =	vge.f32 v4, $2.000000000e+00  }
0x2c: {  	v3 =	vsel vm14, v8, v3  }
0x2d: {  	v56 =	vsub.f32 v3, v8;
	_ =	sdelay $0x1  }
0x2e: {  	v4 =	vmul.f32 $1.442695020e+00, v56;
	_ =	sdelay $0x1  }
0x2f: {  	(erf) = vpow2.f32 v4;
	_ =	sdelay $0x8  }
0x30: {  	v4 =	vpop (erf)  }
0x31: {  	v57 =	vadd.f32 $1.000000000e+00, v4;
	_ =	sdelay $0x1  }
0x32: {  	(erf) = vrcp.f32 v57;
	_ =	sdelay $0x1  }
0x33: {  	v58 =	vsub.f32 $1.000000000e+00, v10;
	_ =	sdelay $0x1  }
0x34: {  	vm0 =	veq.f32 v1, v3;
	v1 =	vmul.f32 v58, v11  }
0x35: {  	v59 =	vsel vm0, $0x3F800000, v0  }
0x36: {  	vm15 =	veq.f32 v2, v3;
	v2 =	vmul.f32 v59, v58;
	v3 =	vsub.f32 $1.000000000e+00, v1  }
0x37: {  	v60 =	vsel vm15, $0x3F800000, v0  }
0x38: {  	v3 =	vmul.f32 v60, v3;
	v61 =	vsub.f32 $1.000000000e+00, v2  }
0x39: {  	v62 =	vpop (erf)  }
0x3a: {  	v3 =	vmul.f32 v61, v3;
	v4 =	vmul.f32 v62, v4  }
0x3b: {  	v63 =	vmul.f32 v62, v10;
	v1 =	vmul.f32 v62, v1  }
0x3c: {  	s11 =	simm.s32 $0x0;
	v2 =	vmul.f32 v4, v2;
	v3 =	vmul.f32 v4, v3  }
0x3d: {  	s13 =	simm.s32 $0x2;
	s11 =	sand.u32 $0x3FFFFF00, s11  }
0x3e: {  	s10 =	sor.u32 s10, s11;
	s11 =	simm.s32 $0x10;
	s9 =	simm.s32 $0x1;
	v2 =	vadd.f32 v2, v63;
	v1 =	vadd.f32 v3, v1  }
.LBB2_2:
0x3f: {  	s14 =	sand.u32 $0x70, s11  }
0x40: {  	s15 =	sshll.u32 s9, $0x7;
	s16 =	sshll.u32 s9, $0x5;
	s9 =	smov.u32 s13  }
0x41: {  	s12 =	sadd.s32 $0x1, s13;
	s15 =	sand.u32 $0x3FFFFC00, s15;
	s16 =	sand.u32 $0x3FFFFF00, s16;
	[tilespmem:s10+$0x2000] =	vst v2  }
0x42: {  	p0 =	sne.s32 s13, $0x3F;
	s13 =	sor.u32 s14, s15;
	[tilespmem:s10+$0x2080] =	vst v1;
	s10 =	sor.u32 s14, s16  }
0x43: {  	v1 =	vld [tilespmem:s13+$0x0]  }
0x44: {  	v2 =	vld [tilespmem:s13+$0x80]  }
0x45: {  	v3 =	vld [tilespmem:s13+$0x100]  }
0x46: {  	v4 =	vld [tilespmem:s13+$0x180]  }
0x47: {  	v5 =	vld [tilespmem:s13+$0x200]  }
0x48: {  	v6 =	vld [tilespmem:s13+$0x280]  }
0x49: {  	v7 =	vld [tilespmem:s13+$0x300];
	v8 =	vmax.f32 v1, v2  }
0x4a: {  	v9 =	vld [tilespmem:s13+$0x380];
	v8 =	vmax.f32 v8, v3  }
0x4b: {  	v8 =	vmax.f32 v8, v4  }
0x4c: {  	v8 =	vmax.f32 v8, v5  }
0x4d: {  	v8 =	vmax.f32 v8, v6  }
0x4e: {  	v8 =	vmax.f32 v8, v7  }
0x4f: {  	v8 =	vmax.f32 v8, v9  }
0x50: {  	vm0 =	veq.f32 v1, v8;
	vm1 =	veq.f32 v2, v8;
	vm2 =	veq.f32 v3, v8  }
0x51: {  	v10 =	vsel vm0, $0x3F800000, v0;
	v11 =	vsel vm1, $0x3F800000, v0;
	v12 =	vsel vm1, $0xFF800000, v2  }
0x52: {  	v15 =	vsel vm2, $0x3F800000, v0;
	v13 =	vadd.f32 v11, v10;
	v14 =	vmax.f32 v1, v12  }
0x53: {  	vm1 =	veq.f32 v5, v8;
	v12 =	vsel vm0, v12, v14;
	vm0 =	veq.f32 v4, v8  }
0x54: {  	v13 =	vadd.f32 v13, v15;
	v3 =	vmax.f32 v12, v3;
	v14 =	vsel vm0, $0x3F800000, v0  }
0x55: {  	vm3 =	veq.f32 v7, v8;
	v3 =	vsel vm2, v12, v3;
	vm2 =	veq.f32 v6, v8  }
0x56: {  	v12 =	vadd.f32 v13, v14;
	v4 =	vmax.f32 v3, v4;
	v13 =	vsel vm1, $0x3F800000, v0  }
0x57: {  	v3 =	vsel vm0, v3, v4;
	vm0 =	veq.f32 v9, v8  }
0x58: {  	v4 =	vadd.f32 v12, v13;
	v5 =	vmax.f32 v3, v5;
	v12 =	vsel vm2, $0x3F800000, v0  }
0x59: {  	v3 =	vsel vm1, v3, v5  }
0x5a: {  	v4 =	vadd.f32 v4, v12;
	v5 =	vmax.f32 v3, v6;
	v6 =	vsel vm3, $0x3F800000, v0  }
0x5b: {  	v3 =	vsel vm2, v3, v5  }
0x5c: {  	v4 =	vadd.f32 v4, v6;
	v5 =	vmax.f32 v3, v7;
	v6 =	vsel vm0, $0x3F800000, v0  }
0x5d: {  	v3 =	vsel vm3, v3, v5  }
0x5e: {  	v4 =	vadd.f32 v4, v6;
	v5 =	vmax.f32 v3, v9  }
0x5f: {  	v3 =	vsel vm0, v3, v5  }
0x60: {  	vm0 =	vge.f32 v4, $2.000000000e+00  }
0x61: {  	v3 =	vsel vm0, v8, v3  }
0x62: {  	v4 =	vsub.f32 v3, v8;
	vm0 =	veq.f32 v1, v3;
	vm1 =	veq.f32 v2, v3  }
0x63: {  	v1 =	vsel vm0, $0x3F800000, v0;
	v2 =	vsel vm1, $0x3F800000, v0  }
0x64: {  	v3 =	vmul.f32 $1.442695020e+00, v4;
	_ =	sdelay $0x1  }
0x65: {  	(erf) = vpow2.f32 v3;
	_ =	sdelay $0x8  }
0x66: {  	v3 =	vpop (erf)  }
0x67: {  	v4 =	vadd.f32 $1.000000000e+00, v3;
	_ =	sdelay $0x1  }
0x68: {  	(erf) = vrcp.f32 v4  }
0x69: {  	v4 =	vsub.f32 $1.000000000e+00, v10;
	_ =	sdelay $0x1  }
0x6a: {  	v5 =	vmul.f32 v4, v11;
	_ =	sdelay $0x1  }
0x6b: {  	v1 =	vmul.f32 v1, v4;
	v4 =	vsub.f32 $1.000000000e+00, v5;
	_ =	sdelay $0x1  }
0x6c: {  	v6 =	vsub.f32 $1.000000000e+00, v1;
	v2 =	vmul.f32 v2, v4;
	_ =	sdelay $0x1  }
0x6d: {  	v2 =	vmul.f32 v6, v2;
	v4 =	vpop (erf)  }
.Ltmp0:
0x6e: {  	v3 =	vmul.f32 v4, v3;
	v6 =	vmul.f32 v4, v10;
	(pc) =	sbr.rel @p0 .LBB2_2-.Ltmp0, $3  }
0x6f: {  	v4 =	vmul.f32 v4, v5  }
0x70: {  	v1 =	vmul.f32 v3, v1;
	v3 =	vmul.f32 v3, v2;
	_ =	sdelay $0x1  }
0x71: {  	s11 =	sadd.s32 $0x10, s11;
	s13 =	smov.u32 s12;
	v2 =	vadd.f32 v1, v6;
	v1 =	vadd.f32 v3, v4  }
0x72: {  	s12 =	sshll.u32 s9, $0x7  }
0x73: {  	s11 =	sand.u32 $0x70, s11;
	s12 =	sand.u32 $0x3FFFFC00, s12;
	[tilespmem:s10+$0x2000] =	vst v2  }
0x74: {  	[tilespmem:s10+$0x2080] =	vst v1;
	s12 =	sor.u32 s11, s12  }
0x75: {  	v1 =	vld [tilespmem:s12+$0x0]  }
0x76: {  	v2 =	vld [tilespmem:s12+$0x80]  }
0x77: {  	v3 =	vld [tilespmem:s12+$0x100]  }
0x78: {  	v4 =	vld [tilespmem:s12+$0x180]  }
0x79: {  	v5 =	vld [tilespmem:s12+$0x200]  }
0x7a: {  	v6 =	vld [tilespmem:s12+$0x280]  }
0x7b: {  	v7 =	vld [tilespmem:s12+$0x300];
	v8 =	vmax.f32 v1, v2  }
0x7c: {  	v9 =	vld [tilespmem:s12+$0x380];
	v8 =	vmax.f32 v8, v3  }
0x7d: {  	v8 =	vmax.f32 v8, v4  }
0x7e: {  	v8 =	vmax.f32 v8, v5  }
0x7f: {  	v8 =	vmax.f32 v8, v6  }
0x80: {  	v8 =	vmax.f32 v8, v7  }
0x81: {  	v8 =	vmax.f32 v8, v9  }
0x82: {  	vm0 =	veq.f32 v1, v8;
	vm1 =	veq.f32 v2, v8  }
0x83: {  	v10 =	vsel vm0, $0x3F800000, v0;
	v11 =	vsel vm1, $0x3F800000, v0  }
0x84: {  	vm2 =	veq.f32 v3, v8;
	v12 =	vsel vm1, $0xFF800000, v2;
	v13 =	vadd.f32 v11, v10  }
0x85: {  	v15 =	vsel vm2, $0x3F800000, v0;
	v14 =	vmax.f32 v1, v12  }
0x86: {  	vm9 =	veq.f32 v4, v8;
	v12 =	vsel vm0, v12, v14;
	v13 =	vadd.f32 v13, v15  }
0x87: {  	v49 =	vsel vm9, $0x3F800000, v0;
	v3 =	vmax.f32 v12, v3  }
0x88: {  	vm10 =	veq.f32 v5, v8;
	v3 =	vsel vm2, v12, v3;
	v50 =	vadd.f32 v13, v49  }
0x89: {  	v51 =	vsel vm10, $0x3F800000, v0;
	v4 =	vmax.f32 v3, v4  }
0x8a: {  	vm11 =	veq.f32 v6, v8;
	v3 =	vsel vm9, v3, v4;
	v52 =	vadd.f32 v50, v51  }
0x8b: {  	v53 =	vsel vm11, $0x3F800000, v0;
	v5 =	vmax.f32 v3, v5  }
0x8c: {  	vm12 =	veq.f32 v7, v8;
	v3 =	vsel vm10, v3, v5;
	v4 =	vadd.f32 v52, v53  }
0x8d: {  	v54 =	vsel vm12, $0x3F800000, v0;
	v5 =	vmax.f32 v3, v6  }
0x8e: {  	vm13 =	veq.f32 v9, v8;
	v3 =	vsel vm11, v3, v5;
	v4 =	vadd.f32 v4, v54  }
0x8f: {  	v55 =	vsel vm13, $0x3F800000, v0;
	v5 =	vmax.f32 v3, v7  }
0x90: {  	v3 =	vsel vm12, v3, v5;
	v4 =	vadd.f32 v4, v55  }
0x91: {  	v5 =	vmax.f32 v3, v9  }
0x92: {  	v3 =	vsel vm13, v3, v5;
	vm14 =	vge.f32 v4, $2.000000000e+00  }
0x93: {  	v3 =	vsel vm14, v8, v3  }
0x94: {  	v56 =	vsub.f32 v3, v8;
	_ =	sdelay $0x1  }
0x95: {  	v4 =	vmul.f32 $1.442695020e+00, v56;
	_ =	sdelay $0x1  }
0x96: {  	(erf) = vpow2.f32 v4;
	_ =	sdelay $0x8  }
0x97: {  	v4 =	vpop (erf)  }
0x98: {  	v57 =	vadd.f32 $1.000000000e+00, v4;
	_ =	sdelay $0x1  }
0x99: {  	(erf) = vrcp.f32 v57;
	_ =	sdelay $0x2  }
0x9a: {  	v58 =	vsub.f32 $1.000000000e+00, v10;
	_ =	sdelay $0x1  }
0x9b: {  	vm0 =	veq.f32 v1, v3;
	v1 =	vmul.f32 v58, v11  }
0x9c: {  	v59 =	vsel vm0, $0x3F800000, v0  }
0x9d: {  	vm15 =	veq.f32 v2, v3;
	v2 =	vmul.f32 v59, v58;
	v3 =	vsub.f32 $1.000000000e+00, v1  }
0x9e: {  	v60 =	vsel vm15, $0x3F800000, v0  }
0x9f: {  	v3 =	vmul.f32 v60, v3;
	v61 =	vsub.f32 $1.000000000e+00, v2;
	v62 =	vpop (erf)  }
0xa0: {  	v4 =	vmul.f32 v62, v4  }
0xa1: {  	v3 =	vmul.f32 v61, v3  }
0xa2: {  	v63 =	vmul.f32 v62, v10;
	v2 =	vmul.f32 v4, v2  }
0xa3: {  	s31 =	sshll.u32 s9, $0x5;
	v1 =	vmul.f32 v62, v1;
	v3 =	vmul.f32 v4, v3  }
0xa4: {  	s9 =	sand.u32 $0x3FFFFF00, s31;
	v2 =	vadd.f32 v2, v63  }
0xa5: {  	s8 =	sadd.s32 $0x1, s8;
	s9 =	sor.u32 s11, s9;
	v1 =	vadd.f32 v3, v1  }
0xa6: {  	p0 =	sne.s32 s8, s5;
	[tilespmem:s9+$0x2000] =	vst v2  }
.Ltmp1:
0xa7: {  	[tilespmem:s9+$0x2080] =	vst v1;
	(pc) =	sbr.rel @p0 .LBB2_1-.Ltmp1, $4  }
0xa8: {  	[hbm4b:s4+s2] =	stream.linear.scatter [tilespmem:s7], [sflag:$0x1], $0x800, $0x38;
	[tilespmem:$0x2800] =	vst v63  }
0xa9: {  	_ =	swait.ge [sflag:s6], $0x800  }
0xaa: {  	[sflag:s6] =	ssyncset.done $0x0  }
0xab: {  	[sflag:s6] =	ssyncadd.s32 $0xFFFFF800  }
0xac: {  	_ =	sfence.sel $0x180000  }
0xad: {  	[bflag:$0x0] =	sbarrier.arrive $0xFFFF  }
0xae: {  	p0 =	sne.s32 s1, $0x0;
	_ =	strace $0x90000047  }
0xaf: {  	s0 =	sadd.s32 @!p0 $0x100000, s0;
	[bflag:$0x2] =	sbarrier.arrive $0xFFFF  }
0xb0: {  	[sflag:s0] =	ssyncadd.tile.s32 @!p0 $0x1;
	_ =	shalt  }
.Lfunc_end2:
_tile_overlayer_lowered:
.L_overlay_start_2:
0xb1: {  	(tag) =	ssettag $0x2  }
0xb2: {  	s0 =	rddreg [dreg:$0x0];
	s2 =	stileid.u32  }
0xb3: {  	s1 =	rddreg [dreg:$0x1];
	p0 =	sne.s32 s2, $0x0  }
0xb4: {  	s3 =	rddreg [dreg:$0x2];
	[bflag:$0x3] =	sbarrier.arrive $0xFFFF;
	s2 =	simm.s32 @!p0 $0x1C01  }
0xb5: {  	[timem:s3], [sflag:s2] =	dma.local @!p0 [hbm:s0], s1  }
0xb6: {  	s0 =	simm.s32 @!p0 $0x1  }
0xb7: {  	_ =	swait.ge @!p0 [sflag:s0], s1  }
0xb8: {  	s1 =	ssub.s32 @!p0 $0x0, s1;
	[sflag:s0] =	ssyncset.done @!p0 $0x0  }
0xb9: {  	[sflag:s0] =	ssyncadd.s32 @!p0 s1  }
0xba: {  	[bflag:$0x3] =	sbarrier.arrive $0xFFFF  }
0xbb: {  	_ =	shalt  }

</sc_bundles>
